<compile_context>
chip_gen: v7x
topology: tpu7x:2x2x1
jax: 0.10.2.dev20260603
libtpu: 0.0.44.dev20260713+nightly
codegen_flags: <defaults>
</compile_context>

<pallas_src>
import functools

import jax
import jax.numpy as jnp
from jax import lax
from jax.experimental import pallas as pl
from jax.experimental.pallas import tpu as pltpu
from jax.experimental.pallas import tpu_sc as plsc

N = 10000
E = 160000
DF = 128
DE = 4
DS = 8
OX = 128
OE = 16

NC = 2
NS = 16
NW = NC * NS

EPW = E // NW
CHUNK = 125
NCHUNK = EPW // CHUNK

NPAD = 10240
RPT = NPAD // NS


def _sc_segment_sum(idx_g, attr_g, zeros_t):
    mesh = plsc.VectorSubcoreMesh(
        core_axis_name="c", subcore_axis_name="s", num_cores=NC, num_subcores=NS
    )

    @functools.partial(
        pl.kernel,
        out_type=jax.ShapeDtypeStruct((NC, NPAD, DS), jnp.float32),
        mesh=mesh,
        scratch_types=[
            pltpu.VMEM((NCHUNK, CHUNK), jnp.int32),
            pltpu.VMEM((NCHUNK, CHUNK, DS), jnp.float32),
            pltpu.VMEM((RPT, DS), jnp.float32),
            pltpu.VMEM_SHARED((NPAD, DS), jnp.float32),
        ],
        compiler_params=pltpu.CompilerParams(use_tc_tiling_on_sc=False),
    )
    def sc_kernel(idx_hbm, attr_hbm, zeros_hbm, out_hbm, idx_v, attr_v, stage_v, adj_sh):
        cid = lax.axis_index("c")
        sid = lax.axis_index("s")
        wid = cid * NS + sid

        rows = pl.ds(sid * RPT, RPT)
        pltpu.sync_copy(zeros_hbm, stage_v)
        pltpu.sync_copy(stage_v, adj_sh.at[rows])

        pltpu.sync_copy(idx_hbm.at[wid], idx_v)
        pltpu.sync_copy(attr_hbm.at[wid], attr_v)

        plsc.subcore_barrier()

        @pl.loop(0, NCHUNK)
        def _(j):
            pltpu.sync_copy(attr_v.at[j], adj_sh.at[idx_v.at[j]], add=True)

        plsc.subcore_barrier()

        pltpu.sync_copy(adj_sh.at[rows], stage_v)
        pltpu.sync_copy(stage_v, out_hbm.at[cid, rows])

    return sc_kernel(idx_g, attr_g, zeros_t)


def _xl_body(x_ref, wx_ref, bx_ref, o_ref):
    xl = lax.dot_general(
        x_ref[...], wx_ref[...], (((1,), (1,)), ((), ())),
        preferred_element_type=jnp.float32,
    ) + bx_ref[...]
    blk = x_ref.shape[0]
    o_ref[...] = jnp.concatenate(
        [jnp.maximum(xl, 0.0), jnp.zeros((blk, OE), jnp.float32)], axis=1
    )


def _xl_call(x, Wx, bx2):
    blk = 2000
    return pl.pallas_call(
        _xl_body,
        grid=(N // blk,),
        in_specs=[
            pl.BlockSpec((blk, DF), lambda i: (i, 0)),
            pl.BlockSpec((OX, DF), lambda i: (0, 0)),
            pl.BlockSpec((1, OX), lambda i: (0, 0)),
        ],
        out_specs=pl.BlockSpec((blk, OX + OE), lambda i: (i, 0)),
        out_shape=jax.ShapeDtypeStruct((N, OX + OE), jnp.float32),
    )(x, Wx, bx2)


def _el_body(adj_ref, we_ref, be_ref, o1_ref, o_ref):
    adj = adj_ref[0, :, 0:DE]
    for c in range(1, NC):
        adj = adj + adj_ref[c, :, 0:DE]
    el = lax.dot_general(
        adj, we_ref[...], (((1,), (1,)), ((), ())),
        preferred_element_type=jnp.float32,
    ) + be_ref[...]
    o_ref[...] = jnp.concatenate(
        [o1_ref[:, 0:OX], jnp.maximum(el, 0.0)], axis=1
    )


def _el_call(adj2, We, be2, out1):
    blk = 2000
    return pl.pallas_call(
        _el_body,
        grid=(N // blk,),
        in_specs=[
            pl.BlockSpec((NC, blk, DS), lambda i: (0, i, 0)),
            pl.BlockSpec((OE, DE), lambda i: (0, 0)),
            pl.BlockSpec((1, OE), lambda i: (0, 0)),
            pl.BlockSpec((blk, OX + OE), lambda i: (i, 0)),
        ],
        out_specs=pl.BlockSpec((blk, OX + OE), lambda i: (i, 0)),
        out_shape=jax.ShapeDtypeStruct((N, OX + OE), jnp.float32),
        input_output_aliases={3: 0},
    )(adj2, We, be2, out1)


def kernel(x, edge_index, edge_attr, Wx, bx, We, be):
    src = edge_index[0]
    idx_g = src.reshape(NW, NCHUNK, CHUNK)
    attr_g = jnp.pad(edge_attr, ((0, 0), (0, DS - DE))).reshape(NW, NCHUNK, CHUNK, DS)
    zeros_t = jnp.zeros((RPT, DS), jnp.float32)
    out1 = _xl_call(x, Wx, bx.reshape(1, OX))
    adj2 = _sc_segment_sum(idx_g, attr_g, zeros_t)
    return _el_call(adj2, We, be.reshape(1, OE), out1)

# --- scband reference (transcript-rebuilt; emitter-appended) ---
"""Pipeline reference for scband-node-centric-34144990003907 (READ-ONLY COPY).

The authoritative reference and input builder live on the scoring server;
editing this copy changes nothing except your own understanding.
"""

import jax, jax.numpy as jnp
import numpy as np

N = 10000
E = 160000
DF = 128
DE = 4
OX = 128
OE = 16


def setup_inputs(seed: int = 0) -> dict:
    key = jax.random.key(seed)
    ks = jax.random.split(key, 7)
    x = jax.random.normal(ks[0], (N, DF), dtype=jnp.float32)
    edge_index = jax.random.randint(ks[1], (2, E), 0, N, dtype=jnp.int32)
    edge_attr = jax.random.normal(ks[2], (E, DE), dtype=jnp.float32)
    # Learned parameters (torch nn.Linear convention: W [out, in], y = x @ W.T + b)
    Wx = jax.random.normal(ks[3], (OX, DF), dtype=jnp.float32) * (1.0 / np.sqrt(DF))
    bx = jax.random.normal(ks[4], (OX,), dtype=jnp.float32) * 0.01
    We = jax.random.normal(ks[5], (OE, DE), dtype=jnp.float32) * (1.0 / np.sqrt(DE))
    be = jax.random.normal(ks[6], (OE,), dtype=jnp.float32) * 0.01
    return {"x": x, "edge_index": edge_index, "edge_attr": edge_attr,
            "Wx": Wx, "bx": bx, "We": We, "be": be}


def reference(x, edge_index, edge_attr, Wx, bx, We, be):
    # torch: adj = sparse_coo_tensor(edge_index, edge_attr).to_dense(); adj = adj.sum(dim=1)
    # Dense [N, N, DE] summed over dim=1 == scatter-add of edge_attr onto src nodes
    # (duplicate edge indices are coalesced by addition, identical to segment_sum).
    src = edge_index[0]
    adj = jax.ops.segment_sum(edge_attr, src, num_segments=N)
    xl = x @ Wx.T + bx
    el = adj @ We.T + be
    out = jnp.concatenate([xl, el], axis=1)
    return jax.nn.relu(out)

if __name__ == "__main__":
    import jax
    _d = setup_inputs()
    print(jax.jit(kernel)(*tuple(_d.values())))

</pallas_src>

<mosaic_0001>
#map = affine_map<(d0, d1) -> (0, 0, 0)>
#map1 = affine_map<(d0, d1) -> (0, 0, 0, 0)>
#map2 = affine_map<(d0, d1) -> (0, 0)>
module attributes {stable_mosaic.version = 14 : i64} {
  func.func @sc_kernel(%arg0: i32, %arg1: i32, %arg2: memref<32x40x125xi32, #tpu.memory_space<hbm>>, %arg3: memref<32x40x125x8xf32, #tpu.memory_space<hbm>>, %arg4: memref<640x8xf32, #tpu.memory_space<hbm>>, %arg5: memref<2x10240x8xf32, #tpu.memory_space<hbm>>, %arg6: memref<40x125xi32, #tpu.memory_space<vmem>>, %arg7: memref<40x125x8xf32, #tpu.memory_space<vmem>>, %arg8: memref<640x8xf32, #tpu.memory_space<vmem>>, %arg9: memref<10240x8xf32, #tpu.memory_space<vmem_shared>>) attributes {dimension_semantics = [#tpu.dimension_semantics<core_parallel>, #tpu.dimension_semantics<subcore_parallel>], iteration_bounds = array<i64: 2, 16>, scalar_prefetch = 0 : i64, scratch_operands = 4 : i64, tpu.core_type = #tpu.core_type<sc_vector_subcore>, window_params = [{transform_indices = #map}, {transform_indices = #map1}, {transform_indices = #map2}, {transform_indices = #map}]} {
    %mul3A = arith.constant 16 : i32
    %mul3A_0 = arith.muli %arg0, %mul3A : i32
    %add3A = arith.addi %mul3A_0, %arg1 : i32
    %mul3A_1 = arith.constant 640 : i32
    %mul3A_2 = arith.muli %arg1, %mul3A_1 : i32
    "tpu.region"() ({
      %run_scoped3A = tpu.sem_alloc : memref<!tpu.dma_semaphore, #tpu.memory_space<semaphore_mem>>
      tpu.enqueue_dma source(%arg4 : memref<640x8xf32, #tpu.memory_space<hbm>>) target(%arg8 : memref<640x8xf32, #tpu.memory_space<vmem>>) target_semaphore(%run_scoped3A : memref<!tpu.dma_semaphore, #tpu.memory_space<semaphore_mem>>)
      tpu.wait_dma2 semaphore(%run_scoped3A : memref<!tpu.dma_semaphore, #tpu.memory_space<semaphore_mem>>) src(%arg4 : memref<640x8xf32, #tpu.memory_space<hbm>>) dst(%arg8 : memref<640x8xf32, #tpu.memory_space<vmem>>)
      tpu.yield
    }) : () -> ()
    "tpu.region"() ({
      %run_scoped3A = tpu.sem_alloc : memref<!tpu.dma_semaphore, #tpu.memory_space<semaphore_mem>>
      %dma_start3A = arith.constant 0 : i32
      %dma_start3A_8 = tpu.memref_slice %arg9[%mul3A_2, %dma_start3A] : memref<10240x8xf32, #tpu.memory_space<vmem_shared>> -> memref<640x8xf32, #tpu.memory_space<vmem_shared>>
      %dma_start3A_9 = arith.constant 0 : i32
      %dma_start3A_10 = tpu.memref_slice %arg9[%mul3A_2, %dma_start3A_9] : memref<10240x8xf32, #tpu.memory_space<vmem_shared>> -> memref<640x8xf32, #tpu.memory_space<vmem_shared>>
      tpu.enqueue_dma source(%arg8 : memref<640x8xf32, #tpu.memory_space<vmem>>) target(%dma_start3A_10 : memref<640x8xf32, #tpu.memory_space<vmem_shared>>) target_semaphore(%run_scoped3A : memref<!tpu.dma_semaphore, #tpu.memory_space<semaphore_mem>>)
      %dma_wait3A = arith.constant 0 : i32
      %dma_wait3A_11 = tpu.memref_slice %arg9[%mul3A_2, %dma_wait3A] : memref<10240x8xf32, #tpu.memory_space<vmem_shared>> -> memref<640x8xf32, #tpu.memory_space<vmem_shared>>
      %dma_wait3A_12 = arith.constant 0 : i32
      %dma_wait3A_13 = tpu.memref_slice %arg9[%mul3A_2, %dma_wait3A_12] : memref<10240x8xf32, #tpu.memory_space<vmem_shared>> -> memref<640x8xf32, #tpu.memory_space<vmem_shared>>
      tpu.wait_dma2 semaphore(%run_scoped3A : memref<!tpu.dma_semaphore, #tpu.memory_space<semaphore_mem>>) src(%arg8 : memref<640x8xf32, #tpu.memory_space<vmem>>) dst(%dma_wait3A_13 : memref<640x8xf32, #tpu.memory_space<vmem_shared>>)
      tpu.yield
    }) : () -> ()
    "tpu.region"() ({
      %run_scoped3A = tpu.sem_alloc : memref<!tpu.dma_semaphore, #tpu.memory_space<semaphore_mem>>
      %dma_start3A = arith.constant 0 : i32
      %dma_start3A_8 = arith.constant 0 : i32
      %dma_start3A_9 = tpu.memref_slice %arg2[%add3A, %dma_start3A, %dma_start3A_8] : memref<32x40x125xi32, #tpu.memory_space<hbm>> -> memref<1x40x125xi32, #tpu.memory_space<hbm>>
      %dma_start3A_10 = tpu.memref_squeeze %dma_start3A_9 : memref<1x40x125xi32, #tpu.memory_space<hbm>> -> memref<40x125xi32, #tpu.memory_space<hbm>>
      %dma_start3A_11 = arith.constant 0 : i32
      %dma_start3A_12 = arith.constant 0 : i32
      %dma_start3A_13 = tpu.memref_slice %arg2[%add3A, %dma_start3A_11, %dma_start3A_12] : memref<32x40x125xi32, #tpu.memory_space<hbm>> -> memref<1x40x125xi32, #tpu.memory_space<hbm>>
      %dma_start3A_14 = tpu.memref_squeeze %dma_start3A_13 : memref<1x40x125xi32, #tpu.memory_space<hbm>> -> memref<40x125xi32, #tpu.memory_space<hbm>>
      tpu.enqueue_dma source(%dma_start3A_14 : memref<40x125xi32, #tpu.memory_space<hbm>>) target(%arg6 : memref<40x125xi32, #tpu.memory_space<vmem>>) target_semaphore(%run_scoped3A : memref<!tpu.dma_semaphore, #tpu.memory_space<semaphore_mem>>)
      %dma_wait3A = arith.constant 0 : i32
      %dma_wait3A_15 = arith.constant 0 : i32
      %dma_wait3A_16 = tpu.memref_slice %arg2[%add3A, %dma_wait3A, %dma_wait3A_15] : memref<32x40x125xi32, #tpu.memory_space<hbm>> -> memref<1x40x125xi32, #tpu.memory_space<hbm>>
      %dma_wait3A_17 = tpu.memref_squeeze %dma_wait3A_16 : memref<1x40x125xi32, #tpu.memory_space<hbm>> -> memref<40x125xi32, #tpu.memory_space<hbm>>
      %dma_wait3A_18 = arith.constant 0 : i32
      %dma_wait3A_19 = arith.constant 0 : i32
      %dma_wait3A_20 = tpu.memref_slice %arg2[%add3A, %dma_wait3A_18, %dma_wait3A_19] : memref<32x40x125xi32, #tpu.memory_space<hbm>> -> memref<1x40x125xi32, #tpu.memory_space<hbm>>
      %dma_wait3A_21 = tpu.memref_squeeze %dma_wait3A_20 : memref<1x40x125xi32, #tpu.memory_space<hbm>> -> memref<40x125xi32, #tpu.memory_space<hbm>>
      tpu.wait_dma2 semaphore(%run_scoped3A : memref<!tpu.dma_semaphore, #tpu.memory_space<semaphore_mem>>) src(%dma_wait3A_21 : memref<40x125xi32, #tpu.memory_space<hbm>>) dst(%arg6 : memref<40x125xi32, #tpu.memory_space<vmem>>)
      tpu.yield
    }) : () -> ()
    "tpu.region"() ({
      %run_scoped3A = tpu.sem_alloc : memref<!tpu.dma_semaphore, #tpu.memory_space<semaphore_mem>>
      %dma_start3A = arith.constant 0 : i32
      %dma_start3A_8 = arith.constant 0 : i32
      %dma_start3A_9 = arith.constant 0 : i32
      %dma_start3A_10 = tpu.memref_slice %arg3[%add3A, %dma_start3A, %dma_start3A_8, %dma_start3A_9] : memref<32x40x125x8xf32, #tpu.memory_space<hbm>> -> memref<1x40x125x8xf32, #tpu.memory_space<hbm>>
      %dma_start3A_11 = tpu.memref_squeeze %dma_start3A_10 : memref<1x40x125x8xf32, #tpu.memory_space<hbm>> -> memref<40x125x8xf32, #tpu.memory_space<hbm>>
      %dma_start3A_12 = arith.constant 0 : i32
      %dma_start3A_13 = arith.constant 0 : i32
      %dma_start3A_14 = arith.constant 0 : i32
      %dma_start3A_15 = tpu.memref_slice %arg3[%add3A, %dma_start3A_12, %dma_start3A_13, %dma_start3A_14] : memref<32x40x125x8xf32, #tpu.memory_space<hbm>> -> memref<1x40x125x8xf32, #tpu.memory_space<hbm>>
      %dma_start3A_16 = tpu.memref_squeeze %dma_start3A_15 : memref<1x40x125x8xf32, #tpu.memory_space<hbm>> -> memref<40x125x8xf32, #tpu.memory_space<hbm>>
      tpu.enqueue_dma source(%dma_start3A_16 : memref<40x125x8xf32, #tpu.memory_space<hbm>>) target(%arg7 : memref<40x125x8xf32, #tpu.memory_space<vmem>>) target_semaphore(%run_scoped3A : memref<!tpu.dma_semaphore, #tpu.memory_space<semaphore_mem>>)
      %dma_wait3A = arith.constant 0 : i32
      %dma_wait3A_17 = arith.constant 0 : i32
      %dma_wait3A_18 = arith.constant 0 : i32
      %dma_wait3A_19 = tpu.memref_slice %arg3[%add3A, %dma_wait3A, %dma_wait3A_17, %dma_wait3A_18] : memref<32x40x125x8xf32, #tpu.memory_space<hbm>> -> memref<1x40x125x8xf32, #tpu.memory_space<hbm>>
      %dma_wait3A_20 = tpu.memref_squeeze %dma_wait3A_19 : memref<1x40x125x8xf32, #tpu.memory_space<hbm>> -> memref<40x125x8xf32, #tpu.memory_space<hbm>>
      %dma_wait3A_21 = arith.constant 0 : i32
      %dma_wait3A_22 = arith.constant 0 : i32
      %dma_wait3A_23 = arith.constant 0 : i32
      %dma_wait3A_24 = tpu.memref_slice %arg3[%add3A, %dma_wait3A_21, %dma_wait3A_22, %dma_wait3A_23] : memref<32x40x125x8xf32, #tpu.memory_space<hbm>> -> memref<1x40x125x8xf32, #tpu.memory_space<hbm>>
      %dma_wait3A_25 = tpu.memref_squeeze %dma_wait3A_24 : memref<1x40x125x8xf32, #tpu.memory_space<hbm>> -> memref<40x125x8xf32, #tpu.memory_space<hbm>>
      tpu.wait_dma2 semaphore(%run_scoped3A : memref<!tpu.dma_semaphore, #tpu.memory_space<semaphore_mem>>) src(%dma_wait3A_25 : memref<40x125x8xf32, #tpu.memory_space<hbm>>) dst(%arg7 : memref<40x125x8xf32, #tpu.memory_space<vmem>>)
      tpu.yield
    }) : () -> ()
    %barrier3A = arith.constant 0 : index
    tpu.barrier barrier_id(%barrier3A)
    %scan3A = arith.constant 0 : i32
    %scan3A_3 = arith.constant 40 : i32
    %scan3A_4 = arith.addi %scan3A, %scan3A_3 : i32
    %scan3A_5 = arith.constant 1 : i32
    scf.for %scan3A_8 = %scan3A to %scan3A_4 step %scan3A_5  : i32 {
      %mul3A_9 = arith.constant 1 : i32
      %mul3A_10 = arith.muli %scan3A_8, %mul3A_9 : i32
      %add3A_11 = arith.constant 0 : i32
      %add3A_12 = arith.addi %add3A_11, %mul3A_10 : i32
      "tpu.region"() ({
        %run_scoped3A = tpu.sem_alloc : memref<!tpu.dma_semaphore, #tpu.memory_space<semaphore_mem>>
        %dma_start3A = arith.constant 0 : i32
        %dma_start3A_13 = arith.constant 0 : i32
        %dma_start3A_14 = tpu.memref_slice %arg7[%add3A_12, %dma_start3A, %dma_start3A_13] : memref<40x125x8xf32, #tpu.memory_space<vmem>> -> memref<1x125x8xf32, #tpu.memory_space<vmem>>
        %dma_start3A_15 = tpu.memref_squeeze %dma_start3A_14 : memref<1x125x8xf32, #tpu.memory_space<vmem>> -> memref<125x8xf32, #tpu.memory_space<vmem>>
        %dma_start3A_16 = arith.constant 0 : i32
        %dma_start3A_17 = tpu.memref_slice %arg6[%add3A_12, %dma_start3A_16] : memref<40x125xi32, #tpu.memory_space<vmem>> -> memref<1x125xi32, #tpu.memory_space<vmem>>
        %dma_start3A_18 = tpu.memref_squeeze %dma_start3A_17 : memref<1x125xi32, #tpu.memory_space<vmem>> -> memref<125xi32, #tpu.memory_space<vmem>>
        %dma_start3A_19 = arith.constant 0 : i32
        %dma_start3A_20 = arith.constant 0 : i32
        %dma_start3A_21 = tpu.memref_slice %arg9[%dma_start3A_19, %dma_start3A_20] : memref<10240x8xf32, #tpu.memory_space<vmem_shared>> -> memref<10240x8xf32, #tpu.memory_space<vmem_shared>>
        tpu.enqueue_indirect_dma source(%dma_start3A_15 : memref<125x8xf32, #tpu.memory_space<vmem>>) target(%dma_start3A_21 : memref<10240x8xf32, #tpu.memory_space<vmem_shared>>) offsets(%dma_start3A_18 : memref<125xi32, #tpu.memory_space<vmem>>) semaphore(%run_scoped3A : memref<!tpu.dma_semaphore, #tpu.memory_space<semaphore_mem>>) {add = true}
        %dma_wait3A = arith.constant 0 : i32
        %dma_wait3A_22 = arith.constant 0 : i32
        %dma_wait3A_23 = tpu.memref_slice %arg7[%add3A_12, %dma_wait3A, %dma_wait3A_22] : memref<40x125x8xf32, #tpu.memory_space<vmem>> -> memref<1x125x8xf32, #tpu.memory_space<vmem>>
        %dma_wait3A_24 = tpu.memref_squeeze %dma_wait3A_23 : memref<1x125x8xf32, #tpu.memory_space<vmem>> -> memref<125x8xf32, #tpu.memory_space<vmem>>
        %dma_wait3A_25 = arith.constant 0 : i32
        %dma_wait3A_26 = tpu.memref_slice %arg6[%add3A_12, %dma_wait3A_25] : memref<40x125xi32, #tpu.memory_space<vmem>> -> memref<1x125xi32, #tpu.memory_space<vmem>>
        %dma_wait3A_27 = tpu.memref_squeeze %dma_wait3A_26 : memref<1x125xi32, #tpu.memory_space<vmem>> -> memref<125xi32, #tpu.memory_space<vmem>>
        %dma_wait3A_28 = arith.constant 0 : i32
        %dma_wait3A_29 = arith.constant 0 : i32
        %dma_wait3A_30 = tpu.memref_slice %arg9[%dma_wait3A_28, %dma_wait3A_29] : memref<10240x8xf32, #tpu.memory_space<vmem_shared>> -> memref<10240x8xf32, #tpu.memory_space<vmem_shared>>
        tpu.wait_indirect_dma semaphore(%run_scoped3A : memref<!tpu.dma_semaphore, #tpu.memory_space<semaphore_mem>>) src(%dma_wait3A_24 : memref<125x8xf32, #tpu.memory_space<vmem>>) dst(%dma_wait3A_30 : memref<10240x8xf32, #tpu.memory_space<vmem_shared>>)
        tpu.yield
      }) : () -> ()
    }
    %scan3A_6 = arith.constant 40 : i32
    %barrier3A_7 = arith.constant 0 : index
    tpu.barrier barrier_id(%barrier3A_7)
    "tpu.region"() ({
      %run_scoped3A = tpu.sem_alloc : memref<!tpu.dma_semaphore, #tpu.memory_space<semaphore_mem>>
      %dma_start3A = arith.constant 0 : i32
      %dma_start3A_8 = tpu.memref_slice %arg9[%mul3A_2, %dma_start3A] : memref<10240x8xf32, #tpu.memory_space<vmem_shared>> -> memref<640x8xf32, #tpu.memory_space<vmem_shared>>
      %dma_start3A_9 = arith.constant 0 : i32
      %dma_start3A_10 = tpu.memref_slice %arg9[%mul3A_2, %dma_start3A_9] : memref<10240x8xf32, #tpu.memory_space<vmem_shared>> -> memref<640x8xf32, #tpu.memory_space<vmem_shared>>
      tpu.enqueue_dma source(%dma_start3A_10 : memref<640x8xf32, #tpu.memory_space<vmem_shared>>) target(%arg8 : memref<640x8xf32, #tpu.memory_space<vmem>>) target_semaphore(%run_scoped3A : memref<!tpu.dma_semaphore, #tpu.memory_space<semaphore_mem>>)
      %dma_wait3A = arith.constant 0 : i32
      %dma_wait3A_11 = tpu.memref_slice %arg9[%mul3A_2, %dma_wait3A] : memref<10240x8xf32, #tpu.memory_space<vmem_shared>> -> memref<640x8xf32, #tpu.memory_space<vmem_shared>>
      %dma_wait3A_12 = arith.constant 0 : i32
      %dma_wait3A_13 = tpu.memref_slice %arg9[%mul3A_2, %dma_wait3A_12] : memref<10240x8xf32, #tpu.memory_space<vmem_shared>> -> memref<640x8xf32, #tpu.memory_space<vmem_shared>>
      tpu.wait_dma2 semaphore(%run_scoped3A : memref<!tpu.dma_semaphore, #tpu.memory_space<semaphore_mem>>) src(%dma_wait3A_13 : memref<640x8xf32, #tpu.memory_space<vmem_shared>>) dst(%arg8 : memref<640x8xf32, #tpu.memory_space<vmem>>)
      tpu.yield
    }) : () -> ()
    "tpu.region"() ({
      %run_scoped3A = tpu.sem_alloc : memref<!tpu.dma_semaphore, #tpu.memory_space<semaphore_mem>>
      %dma_start3A = arith.constant 0 : i32
      %dma_start3A_8 = tpu.memref_slice %arg5[%arg0, %mul3A_2, %dma_start3A] : memref<2x10240x8xf32, #tpu.memory_space<hbm>> -> memref<1x640x8xf32, #tpu.memory_space<hbm>>
      %dma_start3A_9 = tpu.memref_squeeze %dma_start3A_8 : memref<1x640x8xf32, #tpu.memory_space<hbm>> -> memref<640x8xf32, #tpu.memory_space<hbm>>
      %dma_start3A_10 = arith.constant 0 : i32
      %dma_start3A_11 = tpu.memref_slice %arg5[%arg0, %mul3A_2, %dma_start3A_10] : memref<2x10240x8xf32, #tpu.memory_space<hbm>> -> memref<1x640x8xf32, #tpu.memory_space<hbm>>
      %dma_start3A_12 = tpu.memref_squeeze %dma_start3A_11 : memref<1x640x8xf32, #tpu.memory_space<hbm>> -> memref<640x8xf32, #tpu.memory_space<hbm>>
      tpu.enqueue_dma source(%arg8 : memref<640x8xf32, #tpu.memory_space<vmem>>) target(%dma_start3A_12 : memref<640x8xf32, #tpu.memory_space<hbm>>) target_semaphore(%run_scoped3A : memref<!tpu.dma_semaphore, #tpu.memory_space<semaphore_mem>>)
      %dma_wait3A = arith.constant 0 : i32
      %dma_wait3A_13 = tpu.memref_slice %arg5[%arg0, %mul3A_2, %dma_wait3A] : memref<2x10240x8xf32, #tpu.memory_space<hbm>> -> memref<1x640x8xf32, #tpu.memory_space<hbm>>
      %dma_wait3A_14 = tpu.memref_squeeze %dma_wait3A_13 : memref<1x640x8xf32, #tpu.memory_space<hbm>> -> memref<640x8xf32, #tpu.memory_space<hbm>>
      %dma_wait3A_15 = arith.constant 0 : i32
      %dma_wait3A_16 = tpu.memref_slice %arg5[%arg0, %mul3A_2, %dma_wait3A_15] : memref<2x10240x8xf32, #tpu.memory_space<hbm>> -> memref<1x640x8xf32, #tpu.memory_space<hbm>>
      %dma_wait3A_17 = tpu.memref_squeeze %dma_wait3A_16 : memref<1x640x8xf32, #tpu.memory_space<hbm>> -> memref<640x8xf32, #tpu.memory_space<hbm>>
      tpu.wait_dma2 semaphore(%run_scoped3A : memref<!tpu.dma_semaphore, #tpu.memory_space<semaphore_mem>>) src(%arg8 : memref<640x8xf32, #tpu.memory_space<vmem>>) dst(%dma_wait3A_17 : memref<640x8xf32, #tpu.memory_space<hbm>>)
      tpu.yield
    }) : () -> ()
    return
  }
}

module attributes {stable_mosaic.version = 14 : i64} {
  func.func @_xl_body(%arg0: i32, %arg1: memref<2000x128xf32, #tpu.memory_space<vmem>>, %arg2: memref<128x128xf32, #tpu.memory_space<vmem>>, %arg3: memref<1x128xf32, #tpu.memory_space<vmem>>, %arg4: memref<2000x144xf32, #tpu.memory_space<vmem>>) attributes {dimension_semantics = [#tpu.dimension_semantics<arbitrary>], iteration_bounds = array<i64: 5>, scalar_prefetch = 0 : i64, scratch_operands = 0 : i64, tpu.core_type = #tpu.core_type<tc>, window_params = [{transform_indices = @transform_0, window_bounds = array<i64: 2000, 128>}, {pipeline_mode = #tpu.pipeline_mode<synchronous>, transform_indices = @transform_1, window_bounds = array<i64: 128, 128>}, {pipeline_mode = #tpu.pipeline_mode<synchronous>, transform_indices = @transform_2, window_bounds = array<i64: 1, 128>}, {transform_indices = @transform_3, window_bounds = array<i64: 2000, 144>}]} {
    %get3A = arith.constant 0 : index
    %get3A_0 = arith.constant 0 : index
    %get3A_1 = vector.load %arg1[%get3A, %get3A_0] : memref<2000x128xf32, #tpu.memory_space<vmem>>, vector<2000x128xf32>
    %get3A_2 = arith.constant 0 : index
    %get3A_3 = arith.constant 0 : index
    %get3A_4 = vector.load %arg2[%get3A_2, %get3A_3] : memref<128x128xf32, #tpu.memory_space<vmem>>, vector<128x128xf32>
    %dot_general3A = arith.constant dense<0.000000e+00> : vector<2000x128xf32>
    %dot_general3A_5 = tpu.matmul %get3A_1, %get3A_4, %dot_general3A {dimension_numbers = #tpu.dot_dimension_numbers<[1], [1], [0], [0], [0, 0, 1, 0], [], []>, transpose_lhs_hint = false} : vector<2000x128xf32>, vector<128x128xf32>, vector<2000x128xf32> -> vector<2000x128xf32>
    %get3A_6 = arith.constant 0 : index
    %get3A_7 = arith.constant 0 : index
    %get3A_8 = vector.load %arg3[%get3A_6, %get3A_7] : memref<1x128xf32, #tpu.memory_space<vmem>>, vector<1x128xf32>
    %add3A = vector.broadcast %get3A_8 : vector<1x128xf32> to vector<2000x128xf32>
    %add3A_9 = arith.addf %dot_general3A_5, %add3A : vector<2000x128xf32>
    %max3A = arith.constant 0.000000e+00 : f32
    %max3A_10 = vector.broadcast %max3A : f32 to vector<2000x128xf32>
    %max3A_11 = arith.maximumf %add3A_9, %max3A_10 : vector<2000x128xf32>
    %broadcast_in_dim3A = arith.constant 0.000000e+00 : f32
    %broadcast_in_dim3A_12 = vector.broadcast %broadcast_in_dim3A : f32 to vector<2000x16xf32>
    %concatenate3A = tpu.concatenate %max3A_11, %broadcast_in_dim3A_12 in 1 : vector<2000x128xf32>, vector<2000x16xf32> -> vector<2000x144xf32>
    %swap3A = arith.constant 0 : index
    %swap3A_13 = arith.constant 0 : index
    %swap3A_14 = vector.load %arg4[%swap3A, %swap3A_13] : memref<2000x144xf32, #tpu.memory_space<vmem>>, vector<2000x144xf32>
    tpu.vector_store %arg4[%swap3A, %swap3A_13], %concatenate3A {strides = array<i32>} : memref<2000x144xf32, #tpu.memory_space<vmem>>, vector<2000x144xf32>,
    return
  }
  func.func @transform_0(%arg0: i32) -> (i32, i32) {
    %c0_i32 = arith.constant 0 : i32
    %c0_i32_0 = arith.constant 0 : i32
    return %arg0, %c0_i32 : i32, i32
  }
  func.func @transform_1(%arg0: i32) -> (i32, i32) {
    %c0_i32 = arith.constant 0 : i32
    %c0_i32_0 = arith.constant 0 : i32
    %c0_i32_1 = arith.constant 0 : i32
    return %c0_i32, %c0_i32_0 : i32, i32
  }
  func.func @transform_2(%arg0: i32) -> (i32, i32) {
    %c0_i32 = arith.constant 0 : i32
    %c0_i32_0 = arith.constant 0 : i32
    %c0_i32_1 = arith.constant 0 : i32
    return %c0_i32, %c0_i32_0 : i32, i32
  }
  func.func @transform_3(%arg0: i32) -> (i32, i32) {
    %c0_i32 = arith.constant 0 : i32
    %c0_i32_0 = arith.constant 0 : i32
    return %arg0, %c0_i32 : i32, i32
  }
}

module attributes {stable_mosaic.version = 14 : i64} {
  func.func @_el_body(%arg0: i32, %arg1: memref<2x2000x8xf32, #tpu.memory_space<vmem>>, %arg2: memref<16x4xf32, #tpu.memory_space<vmem>>, %arg3: memref<1x16xf32, #tpu.memory_space<vmem>>, %arg4: memref<2000x144xf32, #tpu.memory_space<vmem>>, %arg5: memref<2000x144xf32, #tpu.memory_space<vmem>>) attributes {dimension_semantics = [#tpu.dimension_semantics<arbitrary>], iteration_bounds = array<i64: 5>, scalar_prefetch = 0 : i64, scratch_operands = 0 : i64, tpu.core_type = #tpu.core_type<tc>, window_params = [{transform_indices = @transform_0, window_bounds = array<i64: 2, 2000, 8>}, {pipeline_mode = #tpu.pipeline_mode<synchronous>, transform_indices = @transform_1, window_bounds = array<i64: 16, 4>}, {pipeline_mode = #tpu.pipeline_mode<synchronous>, transform_indices = @transform_2, window_bounds = array<i64: 1, 16>}, {transform_indices = @transform_3, window_bounds = array<i64: 2000, 144>}, {transform_indices = @transform_4, window_bounds = array<i64: 2000, 144>}]} {
    %get3A = arith.constant 0 : index
    %get3A_0 = arith.constant 0 : index
    %get3A_1 = arith.constant 0 : index
    %get3A_2 = vector.load %arg1[%get3A, %get3A_0, %get3A_1] : memref<2x2000x8xf32, #tpu.memory_space<vmem>>, vector<1x2000x4xf32>
    %get3A_3 = vector.shape_cast %get3A_2 : vector<1x2000x4xf32> to vector<2000x4xf32>
    %get3A_4 = arith.constant 1 : index
    %get3A_5 = arith.constant 0 : index
    %get3A_6 = arith.constant 0 : index
    %get3A_7 = vector.load %arg1[%get3A_4, %get3A_5, %get3A_6] : memref<2x2000x8xf32, #tpu.memory_space<vmem>>, vector<1x2000x4xf32>
    %get3A_8 = vector.shape_cast %get3A_7 : vector<1x2000x4xf32> to vector<2000x4xf32>
    %add3A = arith.addf %get3A_3, %get3A_8 : vector<2000x4xf32>
    %get3A_9 = arith.constant 0 : index
    %get3A_10 = arith.constant 0 : index
    %get3A_11 = vector.load %arg2[%get3A_9, %get3A_10] : memref<16x4xf32, #tpu.memory_space<vmem>>, vector<16x4xf32>
    %dot_general3A = arith.constant dense<0.000000e+00> : vector<2000x16xf32>
    %dot_general3A_12 = tpu.matmul %add3A, %get3A_11, %dot_general3A {dimension_numbers = #tpu.dot_dimension_numbers<[1], [1], [0], [0], [0, 0, 1, 0], [], []>, transpose_lhs_hint = false} : vector<2000x4xf32>, vector<16x4xf32>, vector<2000x16xf32> -> vector<2000x16xf32>
    %get3A_13 = arith.constant 0 : index
    %get3A_14 = arith.constant 0 : index
    %get3A_15 = vector.load %arg3[%get3A_13, %get3A_14] : memref<1x16xf32, #tpu.memory_space<vmem>>, vector<1x16xf32>
    %add3A_16 = vector.broadcast %get3A_15 : vector<1x16xf32> to vector<2000x16xf32>
    %add3A_17 = arith.addf %dot_general3A_12, %add3A_16 : vector<2000x16xf32>
    %get3A_18 = arith.constant 0 : index
    %get3A_19 = arith.constant 0 : index
    %get3A_20 = vector.load %arg4[%get3A_18, %get3A_19] : memref<2000x144xf32, #tpu.memory_space<vmem>>, vector<2000x128xf32>
    %max3A = arith.constant 0.000000e+00 : f32
    %max3A_21 = vector.broadcast %max3A : f32 to vector<2000x16xf32>
    %max3A_22 = arith.maximumf %add3A_17, %max3A_21 : vector<2000x16xf32>
    %concatenate3A = tpu.concatenate %get3A_20, %max3A_22 in 1 : vector<2000x128xf32>, vector<2000x16xf32> -> vector<2000x144xf32>
    %swap3A = arith.constant 0 : index
    %swap3A_23 = arith.constant 0 : index
    %swap3A_24 = vector.load %arg5[%swap3A, %swap3A_23] : memref<2000x144xf32, #tpu.memory_space<vmem>>, vector<2000x144xf32>
    tpu.vector_store %arg5[%swap3A, %swap3A_23], %concatenate3A {strides = array<i32>} : memref<2000x144xf32, #tpu.memory_space<vmem>>, vector<2000x144xf32>,
    return
  }
  func.func @transform_0(%arg0: i32) -> (i32, i32, i32) {
    %c0_i32 = arith.constant 0 : i32
    %c0_i32_0 = arith.constant 0 : i32
    %c0_i32_1 = arith.constant 0 : i32
    return %c0_i32, %arg0, %c0_i32_0 : i32, i32, i32
  }
  func.func @transform_1(%arg0: i32) -> (i32, i32) {
    %c0_i32 = arith.constant 0 : i32
    %c0_i32_0 = arith.constant 0 : i32
    %c0_i32_1 = arith.constant 0 : i32
    return %c0_i32, %c0_i32_0 : i32, i32
  }
  func.func @transform_2(%arg0: i32) -> (i32, i32) {
    %c0_i32 = arith.constant 0 : i32
    %c0_i32_0 = arith.constant 0 : i32
    %c0_i32_1 = arith.constant 0 : i32
    return %c0_i32, %c0_i32_0 : i32, i32
  }
  func.func @transform_3(%arg0: i32) -> (i32, i32) {
    %c0_i32 = arith.constant 0 : i32
    %c0_i32_0 = arith.constant 0 : i32
    return %arg0, %c0_i32 : i32, i32
  }
  func.func @transform_4(%arg0: i32) -> (i32, i32) {
    %c0_i32 = arith.constant 0 : i32
    %c0_i32_0 = arith.constant 0 : i32
    return %arg0, %c0_i32 : i32, i32
  }
}

</mosaic_0001>

<sc_bundles>
// kernel: kernel.5.cloned.1.call-start
scs
__scs_entry_jumppad:
0x0: {  	(pc) =	sbr.rel $0x88, $3  }
0x1: {  	(tag) =	ssettag $0x0;
	lr =	simm.s32 $0x1  }
0x2: {  	[smem:$0x3F9A] =	sst lr;
	_ =	strace $0xD0000000  }
0x3: {  	_ = 	snop  }
0x4: {  	_ = 	snop  }
0x5: {  	_ = 	snop  }
0x6: {  	_ = 	snop  }
0x7: {  	_ = 	snop  }
__scs_overlays_trampoline_lowered:
0x8: {  	[smem:$0x3FA9] =	sst s0  }
0x9: {  	[smem:$0x3FAA] =	sst s1  }
0xa: {  	[smem:$0x3FAB] =	sst s2  }
0xb: {  	[smem:$0x3FAC] =	sst s3  }
0xc: {  	[smem:$0x3FAD] =	sst s4  }
0xd: {  	[smem:$0x3FAE] =	sst s5  }
0xe: {  	[smem:$0x3FAF] =	sst s6  }
0xf: {  	[smem:$0x3FB0] =	sst s7  }
0x10: {  	[smem:$0x3FB1] =	sst s8  }
0x11: {  	[smem:$0x3FB2] =	sst s9;
	s0 =	simm.s32 @!p0 $0x0  }
0x12: {  	s1 =	sld [smem:$0x3F98];
	s0 =	simm.s32 @p0 $0x1  }
0x13: {  	[smem:$0x3FB3] =	sst s0;
	s0 =	simm.s32 @!p1 $0x0  }
0x14: {  	s2 =	sld [smem:$0x3F97];
	s0 =	simm.s32 @p1 $0x1  }
0x15: {  	[smem:$0x3FB4] =	sst s0;
	s0 =	simm.s32 @!p2 $0x0  }
0x16: {  	s3 =	sld [smem:$0x3FDB];
	s0 =	simm.s32 @p2 $0x1  }
0x17: {  	s4 =	simm.s32 $0x1BF5;
	[smem:$0x3FB6] =	sst s0  }
0x18: {  	s0 =	sld [smem:$0x3F99];
	_ =	swait.ge [sflag:s4], $0x0  }
0x19: {  	s7 =	sld [smem:$0x3F9A]  }
0x1a: {  	s8 =	sadd.s32 $0xFFFFE003, lr  }
0x1b: {  	s9 =	sadd.s32 $0xFFFFFEF7, lr;
	s5 =	simm.s32 $0xFFFFFFFF;
	p2 =	slt.u32 s8, $0xFFFFF086  }
0x1c: {  	p1 =	slt.u32 s9, $0xF7A;
	s5 =	simm.s32 @!p2 $0x0  }
0x1d: {  	s5 =	simm.s32 @p1 $0x1;
	p0 =	seq.s32 s7, s2  }
0x1e: {  	s7 =	smul.u32 @!p0 $0xF7A, s2;
	p2 =	seq.s32 @!p0 s5, $0x0  }
0x1f: {  	s9 =	smul.u32 $0xF7A, s1;
	s8 =	simm.s32 @!p0 $0x1BF5;
	p2 =	por !p2, p0  }
0x20: {  	[sflag:s8] =	ssyncset.s32 @!p0 $0xFFFFF086;
	s6 =	sadd.s32 @!p0 s3, s7;
	s7 =	simm.s32 @!p0 $0x108  }
0x21: {  	s3 =	sadd.s32 s3, s9;
	s6 =	sadd.s32 @!p0 $0x88, s6;
	s7 =	simm.s32 @p2 $0x1082  }
0x22: {  	[simem:s7], [sflag:s8] =	dma.local @!p0 [hbm:s6], $0xF7A  }
0x23: {  	s9 =	sor.u32 $0xD0000000, s2;
	s6 =	simm.s32 $0x108;
	_ =	swait.ge @!p0 [sflag:s8], $0x0  }
0x24: {  	s3 =	sadd.s32 $0x88, s3;
	s6 =	simm.s32 @!p1 $0x1082;
	[sflag:s4] =	ssyncset.s32 $0xFFFFF086  }
0x25: {  	[simem:s6], [sflag:s4] =	dma.local [hbm:s3], $0xF7A  }
0x26: {  	[smem:$0x3F9A] =	sst s1;
	(tag) =	ssettag s2;
	_ =	strace s9  }
0x27: {  	s1 =	sld [smem:$0x3FAA]  }
0x28: {  	s2 =	sld [smem:$0x3FAB]  }
0x29: {  	s4 =	sld [smem:$0x3FAD]  }
0x2a: {  	p0 =	seq.s32 s5, $0x0;
	s5 =	sld [smem:$0x3FAE]  }
0x2b: {  	s6 =	sld [smem:$0x3FAF]  }
0x2c: {  	s7 =	sld [smem:$0x3FB0]  }
0x2d: {  	s3 =	simm.s32 $0x108;
	s8 =	sld [smem:$0x3FB1]  }
0x2e: {  	s3 =	simm.s32 @!p0 $0x1082;
	s9 =	sld [smem:$0x3FB2]  }
0x2f: {  	lr =	sadd.s32 s0, s3;
	s0 =	sld [smem:$0x3FA9]  }
0x30: {  	s3 =	sld [smem:$0x3FAC]  }
0x31: {  	[smem:$0x3FB5] =	sst s10  }
0x32: {  	s10 =	sld [smem:$0x3FB3];
	_ =	sdelay $0x3  }
0x33: {  	p0 =	seq.s32 s10, $0x1;
	s10 =	sld [smem:$0x3FB5];
	_ =	sdelay $0x3  }
0x34: {  	[smem:$0x3FB5] =	sst s10  }
0x35: {  	s10 =	sld [smem:$0x3FB4];
	_ =	sdelay $0x3  }
0x36: {  	p1 =	seq.s32 s10, $0x1;
	s10 =	sld [smem:$0x3FB5];
	_ =	sdelay $0x3  }
0x37: {  	[smem:$0x3FB5] =	sst s10  }
0x38: {  	s10 =	sld [smem:$0x3FB6]  }
0x39: {  	_ = 	snop;
	(pc) =	sbr.ind lr, $3  }
0x3a: {  	_ = 	snop  }
0x3b: {  	_ = 	snop  }
0x3c: {  	p2 =	seq.s32 s10, $0x1;
	s10 =	sld [smem:$0x3FB5]  }
0x3d: {  	_ =	shalt  }
0x3e: {  	_ =	shalt  }
0x3f: {  	_ =	shalt  }
0x40: {  	_ =	shalt  }
0x41: {  	_ =	shalt  }
0x42: {  	_ =	shalt  }
0x43: {  	_ =	shalt  }
0x44: {  	_ =	shalt  }
0x45: {  	_ =	shalt  }
0x46: {  	_ =	shalt  }
0x47: {  	_ =	shalt  }
0x48: {  	_ =	shalt  }
0x49: {  	_ =	shalt  }
0x4a: {  	_ =	shalt  }
0x4b: {  	_ =	shalt  }
0x4c: {  	_ =	shalt  }
0x4d: {  	_ =	shalt  }
0x4e: {  	_ =	shalt  }
0x4f: {  	_ =	shalt  }
0x50: {  	_ =	shalt  }
0x51: {  	_ =	shalt  }
0x52: {  	_ =	shalt  }
0x53: {  	_ =	shalt  }
0x54: {  	_ =	shalt  }
0x55: {  	_ =	shalt  }
0x56: {  	_ =	shalt  }
0x57: {  	_ =	shalt  }
0x58: {  	_ =	shalt  }
0x59: {  	_ =	shalt  }
0x5a: {  	_ =	shalt  }
0x5b: {  	_ =	shalt  }
0x5c: {  	_ =	shalt  }
0x5d: {  	_ =	shalt  }
0x5e: {  	_ =	shalt  }
0x5f: {  	_ =	shalt  }
0x60: {  	_ =	shalt  }
0x61: {  	_ =	shalt  }
0x62: {  	_ =	shalt  }
0x63: {  	_ =	shalt  }
0x64: {  	_ =	shalt  }
0x65: {  	_ =	shalt  }
0x66: {  	_ =	shalt  }
0x67: {  	_ =	shalt  }
0x68: {  	_ =	shalt  }
0x69: {  	_ =	shalt  }
0x6a: {  	_ =	shalt  }
0x6b: {  	_ =	shalt  }
0x6c: {  	_ =	shalt  }
0x6d: {  	_ =	shalt  }
0x6e: {  	_ =	shalt  }
0x6f: {  	_ =	shalt  }
0x70: {  	_ =	shalt  }
0x71: {  	_ =	shalt  }
0x72: {  	_ =	shalt  }
0x73: {  	_ =	shalt  }
0x74: {  	_ =	shalt  }
0x75: {  	_ =	shalt  }
0x76: {  	_ =	shalt  }
0x77: {  	_ =	shalt  }
0x78: {  	_ =	shalt  }
0x79: {  	_ =	shalt  }
0x7a: {  	_ =	shalt  }
0x7b: {  	_ =	shalt  }
0x7c: {  	_ =	shalt  }
0x7d: {  	_ =	shalt  }
0x7e: {  	_ =	shalt  }
0x7f: {  	_ =	shalt  }
0x80: {  	_ =	shalt  }
0x81: {  	_ =	shalt  }
0x82: {  	_ =	shalt  }
0x83: {  	_ =	shalt  }
0x84: {  	_ =	shalt  }
0x85: {  	_ =	shalt  }
0x86: {  	_ =	shalt  }
0x87: {  	_ =	shalt  }
.Lfunc_end0:
.L_simem_size_0:
called_computation_lowered:
.L_overlay_start_0:
0x88: {  	s2 =	sld [smem:$0x3FD9]  }
0x89: {  	s3 =	sld [smem:$0x3FFE];
	_ =	sdelay $0x1  }
0x8a: {  	s1 =	srdreg.scid  }
0x8b: {  	s0 =	sand.u32 $0x1, s1  }
0x8c: {  	s17 =	sshll.u32 s0, $0xA;
	s2 =	sadd.s32 s3, s2  }
0x8d: {  	s2 =	sadd.s32 s2, s17  }
0x8e: {  	[smem:$0x3FC1] =	sst s2  }
0x8f: {  	_ = 	snop  }
0x90: {  	s2 =	sld [smem:$0x3FD0];
	(tm) =	ssettm $0x1  }
0x91: {  	s18 =	sld [smem:$0x3FFB];
	_ =	sdelay $0x3  }
0x92: {  	_ =	strace s18  }
0x93: {  	s3 =	sld [smem:$0x3FFC];
	_ =	sdelay $0x3  }
0x94: {  	_ =	strace s3  }
0x95: {  	s3 =	sld [smem:$0x3FFD];
	_ =	sdelay $0x3  }
0x96: {  	_ =	strace s3  }
0x97: {  	_ =	strace $0x8FFFFFFF  }
0x98: {  	s19 =	sld [smem:$0x3FDB];
	_ =	sdelay $0x1  }
0x99: {  	s4 =	simm.s32 $_scs_section_size  }
0x9a: {  	s5 =	simm.s32 $_size__tile_overlayer_lowered;
	s6 =	simm.s32 $_tile_overlayer_lowered  }
0x9b: {  	s22 =	simm.s32 $0x1BFF;
	s21 =	sshll.u32 s6, $0x1;
	s3 =	sadd.s32 s4, s19  }
0x9c: {  	s7 =	simm.s32 $0x0;
	s20 =	sshll.u32 s5, $0x1;
	s5 =	sadd.s32 s21, s3  }
0x9d: {  	[timem:s7], [sflag:s22] =	dma.local [hbm:s5], s20  }
0x9e: {  	_ =	swait.ge [sflag:s22], s20  }
0x9f: {  	s4 =	ssub.s32 $0x0, s20;
	[sflag:s22] =	ssyncset.done $0x0  }
0xa0: {  	[sflag:s22] =	ssyncadd.s32 s4;
	_ =	sdelay $0x1  }
0xa1: {  	s23 =	simm.s32 $0x1B8B  }
0xa2: {  	_ =	swait.ge [sflag:s23], $0x1  }
0xa3: {  	[sflag:s23] =	ssyncset.done $0x0  }
0xa4: {  	s25 =	simm.s32 $0x1B8E;
	s24 =	sld [smem:$0x3FFE];
	[sflag:s23] =	ssyncadd.s32 $0xFFFFFFFF  }
0xa5: {  	s26 =	simm.s32 $execute0_lowered;
	[smem:$0x3FD2] =	sst s25  }
0xa6: {  	s5 =	sshll.u32 s26, $0x1;
	_ =	strace $0x80000046;
	[dreg:$0x1] =	wrdreg $0xFFFFFFFF  }
0xa7: {  	s28 =	simm.s32 $_size_execute0_lowered;
	s3 =	sadd.s32 s3, s5;
	[dreg:$0x0] =	wrdreg $0x0  }
0xa8: {  	s5 =	sshll.u32 s28, $0x1;
	[dreg:$0x2] =	wrdreg s3  }
0xa9: {  	[dreg:$0x3] =	wrdreg s5  }
0xaa: {  	[dreg:$0x4] =	wrdreg $0xC0  }
0xab: {  	_ =	task [dreg:s7], $0x5FFFF  }
0xac: {  	[dreg:$0x1] =	wrdreg $0xFFFFFFFF  }
0xad: {  	[dreg:$0x0] =	wrdreg $0x60  }
0xae: {  	[dreg:$0x2] =	wrdreg s24  }
0xaf: {  	[dreg:$0x3] =	wrdreg s2  }
0xb0: {  	[dreg:$0x4] =	wrdreg $0xC4400  }
0xb1: {  	[dreg:$0x5] =	wrdreg $0x9  }
0xb2: {  	_ =	task.clear_ibuf [dreg:s7], $0x6FFFF;
	_ =	strace $0x90000046  }
0xb3: {  	s29 =	simm.s32 $0x9;
	_ =	strace $0x80000048  }
0xb4: {  	_ =	swait.ge [sflag:s29], $0x1  }
0xb5: {  	[sflag:s29] =	ssyncadd.s32 $0xFFFFFFFF  }
0xb6: {  	_ =	strace $0x90000048  }
0xb7: {  	_ =	sfence  }
0xb8: {  	s30 =	sld [smem:$0x0];
	_ =	sdelay $0x2  }
0xb9: {  	s31 =	sshll.u32 s1, $0xD;
	s1 =	sshrl.u32 s1, $0x2  }
0xba: {  	s3 =	sand.u32 $0x4000, s31;
	s1 =	sadd.s32 s1, s30  }
0xbb: {  	s0 =	sor.u32 s3, s0;
	s1 =	sshll.u32 s1, $0x11  }
0xbc: {  	s0 =	sor.u32 s1, s0  }
0xbd: {  	s0 =	sadd.s32 $0x8F2B, s0  }
0xbe: {  	[sflag:s0] =	ssyncadd.remote.s32 $0x1  }
0xbf: {  	_ =	sfence.sel $0xFFFF  }
0xc0: {  	[dreg:$0x0] =	wrdreg $0xFFFFFFFF;
	(pc) =	sbr.abs _section_cstart, $3  }
0xc1: {  	[dreg:$0x1] =	wrdreg $0xFFFFFFFF  }
0xc2: {  	_ =	task.clear_ibuf [dreg:s7], $0x2FFFF;
	_ =	strace $0x9FFFFFFF  }
0xc3: {  	(tm) =	ssettm $0x7FFFFFFF  }
tec
execute0_lowered:
.L_overlay_start_1:
0x0: {  	(tag) =	ssettag $0x1  }
0x1: {  	s5 =	rddreg [dreg:$0x0]  }
0x2: {  	s7 =	rddreg [dreg:$0x1]  }
0x3: {  	s0 =	srdreg.scid;
	s2 =	rddreg [dreg:$0x2]  }
0x4: {  	s3 =	simm.s32 $0x0;
	s4 =	sand.u32 $0x1, s0;
	s0 =	stileid.u32  }
0x5: {  	[smem:$0x7FF] =	sst s3;
	s9 =	smul.u32 $0x1400, s0  }
0x6: {  	s1 =	sshll.u32 s4, $0x4;
	s10 =	smul.u32 $0x14000, s4;
	s11 =	ssub.s32 $0x2, s4  }
0x7: {  	s4 =	sadd.s32 $0x6200, s5;
	s6 =	sor.u32 s0, s1;
	s1 =	rddreg [dreg:$0x3]  }
0x8: {  	_ =	strace $0x80000047;
	s12 =	sshrl.u32 s11, $0x1;
	s8 =	smul.u32 $0x280, s6  }
0x9: {  	s10 =	sadd.s32 s9, s10;
	s13 =	smul.u32 $0x1388, s6;
	s11 =	ssub.s32 s11, s12  }
0xa: {  	s12 =	simm.s32 $0x7D;
	s10 =	sshrl.u32 s10, $0x3;
	s8 =	sadd.s32 s8, s5  }
0xb: {  	s10 =	sadd.s32 s10, s5;
	s5 =	sadd.s32 s9, s2;
	s7 =	sadd.s32 s7, s13  }
0xc: {  	s9 =	smax.u32 s11, $0x1;
	s11 =	simm.s32 $0x1;
	s13 =	simm.s32 $0x0  }
0xd: {  	s6 =	sadd.s32 $0x1200, s8;
	s8 =	sadd.s32 $0x6600, s10;
	s10 =	simm.s32 $0xB040  }
.LBB2_1:
0xe: {  	[tilespmem:s10], [sflag:$0x1] =	stream.linear.gather [hbm4b:s4+s3], $0x1400, $0x38;
	[tilespmem:$0xD840] =	vst v63  }
0xf: {  	_ =	swait.ge [sflag:s11], $0x1400  }
0x10: {  	[sflag:s11] =	ssyncset.done $0x0  }
0x11: {  	[sflag:s11] =	ssyncadd.s32 $0xFFFFEC00  }
0x12: {  	[spmem:s5] =	stream.linear.scatter [tilespmem:s10], [sflag:$0x1], $0x1400, $0x38;
	[tilespmem:$0xD840] =	vst v63  }
0x13: {  	_ =	swait.ge [sflag:s11], $0x1400  }
0x14: {  	[sflag:s11] =	ssyncset.done $0x0  }
0x15: {  	[sflag:s11] =	ssyncadd.s32 $0xFFFFEC00  }
0x16: {  	[tilespmem:s3], [sflag:$0x1] =	stream.linear.gather [hbm4b:s6+s3], $0x1400, $0x38;
	[tilespmem:$0xD840] =	vst v63  }
0x17: {  	_ =	swait.ge [sflag:s11], $0x1400  }
0x18: {  	[sflag:s11] =	ssyncset.done $0x0  }
0x19: {  	s14 =	simm.s32 $0x1400;
	[sflag:s11] =	ssyncadd.s32 $0xFFFFEC00  }
0x1a: {  	[tilespmem:s14], [sflag:$0x1] =	stream.linear.gather [hbm4b:s7+s3], $0x9C40, $0x38;
	[tilespmem:$0xD840] =	vst v63  }
0x1b: {  	_ =	swait.ge [sflag:s11], $0x9C40  }
0x1c: {  	[sflag:s11] =	ssyncset.done $0x0  }
0x1d: {  	[sflag:s11] =	ssyncadd.s32 $0xFFFF63C0  }
0x1e: {  	s15 =	simm.s32 $0x0;
	[bflag:$0x0] =	sbarrier.arrive $0xFFFF  }
0x1f: {  	[spmem:s2] =	stream.indirect.scatter.add.f32 [tilespmem:s14], [sflag:$0x1], $0x8, s15, s12, $0xb8;
	[tilespmem:$0xD840] =	vst v63  }
0x20: {  	_ =	swait.ge [sflag:s11], $0x3E8  }
0x21: {  	s15 =	simm.s32 $0x200;
	[sflag:s11] =	ssyncset.done $0x0  }
.LBB2_2:
0x22: {  	s16 =	sshra.s32 s15, $0x2  }
0x23: {  	[sflag:s11] =	ssyncadd.s32 $0xFFFFFC18;
	s14 =	sadd.s32 $0x3E8, s14;
	p0 =	sne.s32 s15, $0x4E00  }
0x24: {  	[spmem:s2] =	stream.indirect.scatter.add.f32 [tilespmem:s14], [sflag:$0x1], $0x8, s16, s12, $0xb8;
	[tilespmem:$0xD840] =	vst v63  }
.Ltmp0:
0x25: {  	_ = 	snop;
	(pc) =	sbr.rel @p0 .LBB2_2-.Ltmp0, $4  }
0x26: {  	_ = 	snop  }
0x27: {  	s15 =	sadd.s32 $0x200, s15  }
0x28: {  	_ =	swait.ge [sflag:s11], $0x3E8  }
0x29: {  	[sflag:s11] =	ssyncset.done $0x0  }
0x2a: {  	[sflag:s11] =	ssyncadd.s32 $0xFFFFFC18  }
0x2b: {  	[bflag:$0x0] =	sbarrier.arrive $0xFFFF  }
0x2c: {  	[tilespmem:s10], [sflag:$0x1] =	stream.linear.gather [spmem:s5], $0x1400, $0x38;
	[tilespmem:$0xD840] =	vst v63  }
0x2d: {  	s13 =	sadd.s32 $0x1, s13;
	_ =	swait.ge [sflag:s11], $0x1400  }
0x2e: {  	p0 =	sne.s32 s13, s9;
	[sflag:s11] =	ssyncset.done $0x0  }
.Ltmp1:
0x2f: {  	[sflag:s11] =	ssyncadd.s32 $0xFFFFEC00;
	(pc) =	sbr.rel @p0 .LBB2_1-.Ltmp1, $4  }
0x30: {  	[hbm4b:s8+s3] =	stream.linear.scatter [tilespmem:s10], [sflag:$0x1], $0x1400, $0x38;
	[tilespmem:$0xD840] =	vst v63  }
0x31: {  	_ =	swait.ge [sflag:s11], $0x1400  }
0x32: {  	[sflag:s11] =	ssyncset.done $0x0  }
0x33: {  	[sflag:s11] =	ssyncadd.s32 $0xFFFFEC00  }
0x34: {  	_ =	sfence.sel $0x180000  }
0x35: {  	[bflag:$0x0] =	sbarrier.arrive $0xFFFF  }
0x36: {  	p0 =	sne.s32 s0, $0x0;
	_ =	strace $0x90000047  }
0x37: {  	s0 =	sadd.s32 @!p0 $0x100000, s1;
	[bflag:$0x2] =	sbarrier.arrive $0xFFFF  }
0x38: {  	[sflag:s0] =	ssyncadd.tile.s32 @!p0 $0x1;
	_ =	shalt  }
.Lfunc_end2:
_tile_overlayer_lowered:
.L_overlay_start_2:
0x39: {  	(tag) =	ssettag $0x2  }
0x3a: {  	s0 =	rddreg [dreg:$0x0];
	s2 =	stileid.u32  }
0x3b: {  	s1 =	rddreg [dreg:$0x1];
	p0 =	sne.s32 s2, $0x0  }
0x3c: {  	s3 =	rddreg [dreg:$0x2];
	[bflag:$0x3] =	sbarrier.arrive $0xFFFF;
	s2 =	simm.s32 @!p0 $0x1C01  }
0x3d: {  	[timem:s3], [sflag:s2] =	dma.local @!p0 [hbm:s0], s1  }
0x3e: {  	s0 =	simm.s32 @!p0 $0x1  }
0x3f: {  	_ =	swait.ge @!p0 [sflag:s0], s1  }
0x40: {  	s1 =	ssub.s32 @!p0 $0x0, s1;
	[sflag:s0] =	ssyncset.done @!p0 $0x0  }
0x41: {  	[sflag:s0] =	ssyncadd.s32 @!p0 s1  }
0x42: {  	[bflag:$0x3] =	sbarrier.arrive $0xFFFF  }
0x43: {  	_ =	shalt  }

</sc_bundles>
